<compile_context>
chip_gen: v7x
topology: tpu7x:2x2x1
jax: 0.10.2.dev20260603
libtpu: 0.0.44.dev20260713+nightly
codegen_flags: <defaults>
</compile_context>

<pallas_src>
import jax
import jax.numpy as jnp
from jax import lax
from jax.experimental import pallas as pl
from jax.experimental.pallas import tpu as pltpu
from jax.experimental.pallas import tpu_sc as plsc

NC, NS, L = 2, 16, 16
LAT, LON = 361, 720
NVAR_IN, NVAR_OUT = 73, 10
PER_SC = NVAR_OUT // NC


def _gather_body(x_hbm, idx_hbm, out_hbm, vidx, shared, sem):
    c = lax.axis_index("c")
    s = lax.axis_index("s")
    pltpu.sync_copy(idx_hbm, vidx.at[pl.ds(0, NVAR_OUT)])

    @pl.when(s < PER_SC)
    def _():
        v = s * NC + c
        lane = lax.iota(jnp.int32, L)
        sv = jnp.sum(jnp.where(lane == v, vidx[...], 0))
        pltpu.async_copy(x_hbm.at[0, sv], shared.at[s], sem).wait()
        pltpu.async_copy(shared.at[s], out_hbm.at[0, v], sem).wait()


@jax.jit
def kernel(x, indexes):
    xt = jnp.swapaxes(x, 2, 3)
    mesh = plsc.VectorSubcoreMesh(
        core_axis_name="c", subcore_axis_name="s", num_cores=NC, num_subcores=NS
    )
    outt = pl.kernel(
        _gather_body,
        out_type=jax.ShapeDtypeStruct((1, NVAR_OUT, LON, LAT), jnp.float32),
        mesh=mesh,
        scratch_types=[
            pltpu.VMEM((L,), jnp.int32),
            pltpu.VMEM_SHARED((PER_SC, LON, LAT), jnp.float32),
            pltpu.SemaphoreType.DMA,
        ],
        compiler_params=pltpu.CompilerParams(
            use_tc_tiling_on_sc=True, needs_layout_passes=False
        ),
    )(xt, indexes)
    return jnp.swapaxes(outt, 2, 3)

# --- scband reference (transcript-rebuilt; emitter-appended) ---
"""Pipeline reference for scband-phoo-diagnostic-11862699671979 (READ-ONLY COPY).

The authoritative reference and input builder live on the scoring server;
editing this copy changes nothing except your own understanding.
"""

import jax, jax.numpy as jnp
import numpy as np

IN_VARIABLE = np.array(["u10m","v10m","u100m","v100m","t2m","sp","msl","tcwv","u50","v50","z50","t50","q50","u100","v100","z100","t100","q100","u150","v150","z150","t150","q150","u200","v200","z200","t200","q200","u250","v250","z250","t250","q250","u300","v300","z300","t300","q300","u400","v400","z400","t400","q400","u500","v500","z500","t500","q500","u600","v600","z600","t600","q600","u700","v700","z700","t700","q700","u850","v850","z850","t850","q850","u925","v925","z925","t925","q925","u1000","v1000","z1000","t1000","q1000"])
OUT_VARIABLE = np.array(["t2m","u10m","v10m","msl","u250","v250","z500","q700","t850","z1000"])


def setup_inputs(seed: int = 0) -> dict:
    key = jax.random.key(seed)
    x = jax.random.normal(key, (1, 73, 361, 720), dtype=jnp.float32)
    # Replicates: np.argwhere((coords['variable'][:,None] == out_variable[None]).sum(axis=1))[:,0]
    # i.e. indices (in input order) of variables that appear in out_variable.
    mask = (IN_VARIABLE[:, None] == OUT_VARIABLE[None]).sum(axis=1)
    indexes = np.argwhere(mask)[:, 0]
    return {"x": x, "indexes": jnp.asarray(indexes, dtype=jnp.int32)}


def reference(x, indexes):
    # torch.index_select(x, dim=1, indexes)  (dim 1 is the 'variable' coordinate)
    return jnp.take(x, indexes, axis=1)

if __name__ == "__main__":
    import jax
    _d = setup_inputs()
    print(jax.jit(kernel)(*tuple(_d.values())))

</pallas_src>

<mosaic_0001>
#map = affine_map<(d0, d1) -> (0, 0, 0, 0)>
#map1 = affine_map<(d0, d1) -> (0)>
module attributes {stable_mosaic.version = 14 : i64} {
  func.func @_gather_body(%arg0: i32, %arg1: i32, %arg2: memref<1x73x720x361xf32, #tpu.memory_space<hbm>>, %arg3: memref<10xi32, #tpu.memory_space<hbm>>, %arg4: memref<1x10x720x361xf32, #tpu.memory_space<hbm>>, %arg5: memref<16xi32, #tpu.memory_space<vmem>>, %arg6: memref<5x720x361xf32, #tpu.memory_space<vmem_shared>>, %arg7: memref<!tpu.dma_semaphore, #tpu.memory_space<semaphore_mem>>) attributes {dimension_semantics = [#tpu.dimension_semantics<core_parallel>, #tpu.dimension_semantics<subcore_parallel>], iteration_bounds = array<i64: 2, 16>, scalar_prefetch = 0 : i64, scratch_operands = 3 : i64, tpu.core_type = #tpu.core_type<sc_vector_subcore>, window_params = [{transform_indices = #map}, {transform_indices = #map1}, {transform_indices = #map}]} {
    "tpu.region"() ({
      %run_scoped3A = tpu.sem_alloc : memref<!tpu.dma_semaphore, #tpu.memory_space<semaphore_mem>>
      %dma_start3A = arith.constant 0 : i32
      %dma_start3A_2 = tpu.memref_slice %arg5[%dma_start3A] : memref<16xi32, #tpu.memory_space<vmem>> -> memref<10xi32, #tpu.memory_space<vmem>>
      %dma_start3A_3 = arith.constant 0 : i32
      %dma_start3A_4 = tpu.memref_slice %arg5[%dma_start3A_3] : memref<16xi32, #tpu.memory_space<vmem>> -> memref<10xi32, #tpu.memory_space<vmem>>
      tpu.enqueue_dma source(%arg3 : memref<10xi32, #tpu.memory_space<hbm>>) target(%dma_start3A_4 : memref<10xi32, #tpu.memory_space<vmem>>) target_semaphore(%run_scoped3A : memref<!tpu.dma_semaphore, #tpu.memory_space<semaphore_mem>>)
      %dma_wait3A = arith.constant 0 : i32
      %dma_wait3A_5 = tpu.memref_slice %arg5[%dma_wait3A] : memref<16xi32, #tpu.memory_space<vmem>> -> memref<10xi32, #tpu.memory_space<vmem>>
      %dma_wait3A_6 = arith.constant 0 : i32
      %dma_wait3A_7 = tpu.memref_slice %arg5[%dma_wait3A_6] : memref<16xi32, #tpu.memory_space<vmem>> -> memref<10xi32, #tpu.memory_space<vmem>>
      tpu.wait_dma2 semaphore(%run_scoped3A : memref<!tpu.dma_semaphore, #tpu.memory_space<semaphore_mem>>) src(%arg3 : memref<10xi32, #tpu.memory_space<hbm>>) dst(%dma_wait3A_7 : memref<10xi32, #tpu.memory_space<vmem>>)
      tpu.yield
    }) : () -> ()
    %lt3A = arith.constant 5 : i32
    %lt3A_0 = arith.cmpi slt, %arg1, %lt3A : i32
    %convert_element_type3A = arith.extui %lt3A_0 : i1 to i32
    %cond3A = arith.constant 0 : i32
    %cond3A_1 = arith.cmpi ne, %convert_element_type3A, %cond3A : i32
    scf.if %cond3A_1 {
      %mul3A = arith.constant 2 : i32
      %mul3A_2 = arith.muli %arg1, %mul3A : i32
      %add3A = arith.addi %mul3A_2, %arg0 : i32
      %iota3A = tpu.iota {dimensions = array<i32: 0>} : vector<16xi32>
      %eq3A = vector.broadcast %add3A : i32 to vector<16xi32>
      %eq3A_3 = arith.cmpi eq, %iota3A, %eq3A : vector<16xi32>
      %get3A = arith.constant 0 : index
      %get3A_4 = tpu.vector_load %arg5[%get3A] {strides = array<i32>} : memref<16xi32, #tpu.memory_space<vmem>>, vector<16xi32>,
      %jit3A = arith.constant 0 : i32
      %broadcast_in_dim3A = vector.broadcast %jit3A : i32 to vector<16xi32>
      %select_n3A = arith.select %eq3A_3, %get3A_4, %broadcast_in_dim3A : vector<16xi1>, vector<16xi32>
      %reduce_sum3A = arith.constant true
      %reduce_sum3A_5 = vector.broadcast %reduce_sum3A : i1 to vector<16xi1>
      %reduce_sum3A_6 = tpu.scan <sum>, %select_n3A masked %reduce_sum3A_5 : vector<16xi32>, vector<16xi1> -> vector<16xi32>
      %reduce_sum3A_7 = vector.extract %reduce_sum3A_6[15] : i32 from vector<16xi32>
      %dma_start3A = arith.constant 0 : i32
      %dma_start3A_8 = arith.constant 0 : i32
      %dma_start3A_9 = arith.constant 0 : i32
      %dma_start3A_10 = tpu.memref_slice %arg6[%arg1, %dma_start3A_8, %dma_start3A_9] : memref<5x720x361xf32, #tpu.memory_space<vmem_shared>> -> memref<1x720x361xf32, #tpu.memory_space<vmem_shared>>
      %dma_start3A_11 = tpu.memref_squeeze %dma_start3A_10 : memref<1x720x361xf32, #tpu.memory_space<vmem_shared>> -> memref<720x361xf32, #tpu.memory_space<vmem_shared>>
      %dma_start3A_12 = arith.constant 0 : i32
      %dma_start3A_13 = arith.constant 0 : i32
      %dma_start3A_14 = tpu.memref_slice %arg2[%dma_start3A, %reduce_sum3A_7, %dma_start3A_12, %dma_start3A_13] : memref<1x73x720x361xf32, #tpu.memory_space<hbm>> -> memref<1x1x720x361xf32, #tpu.memory_space<hbm>>
      %dma_start3A_15 = tpu.memref_squeeze %dma_start3A_14 : memref<1x1x720x361xf32, #tpu.memory_space<hbm>> -> memref<720x361xf32, #tpu.memory_space<hbm>>
      tpu.enqueue_dma source(%dma_start3A_15 : memref<720x361xf32, #tpu.memory_space<hbm>>) target(%dma_start3A_11 : memref<720x361xf32, #tpu.memory_space<vmem_shared>>) target_semaphore(%arg7 : memref<!tpu.dma_semaphore, #tpu.memory_space<semaphore_mem>>)
      %dma_wait3A = arith.constant 0 : i32
      %dma_wait3A_16 = arith.constant 0 : i32
      %dma_wait3A_17 = arith.constant 0 : i32
      %dma_wait3A_18 = tpu.memref_slice %arg6[%arg1, %dma_wait3A_16, %dma_wait3A_17] : memref<5x720x361xf32, #tpu.memory_space<vmem_shared>> -> memref<1x720x361xf32, #tpu.memory_space<vmem_shared>>
      %dma_wait3A_19 = tpu.memref_squeeze %dma_wait3A_18 : memref<1x720x361xf32, #tpu.memory_space<vmem_shared>> -> memref<720x361xf32, #tpu.memory_space<vmem_shared>>
      %dma_wait3A_20 = arith.constant 0 : i32
      %dma_wait3A_21 = arith.constant 0 : i32
      %dma_wait3A_22 = tpu.memref_slice %arg2[%dma_wait3A, %reduce_sum3A_7, %dma_wait3A_20, %dma_wait3A_21] : memref<1x73x720x361xf32, #tpu.memory_space<hbm>> -> memref<1x1x720x361xf32, #tpu.memory_space<hbm>>
      %dma_wait3A_23 = tpu.memref_squeeze %dma_wait3A_22 : memref<1x1x720x361xf32, #tpu.memory_space<hbm>> -> memref<720x361xf32, #tpu.memory_space<hbm>>
      tpu.wait_dma2 semaphore(%arg7 : memref<!tpu.dma_semaphore, #tpu.memory_space<semaphore_mem>>) src(%dma_wait3A_23 : memref<720x361xf32, #tpu.memory_space<hbm>>) dst(%dma_wait3A_19 : memref<720x361xf32, #tpu.memory_space<vmem_shared>>)
      %dma_start3A_24 = arith.constant 0 : i32
      %dma_start3A_25 = arith.constant 0 : i32
      %dma_start3A_26 = arith.constant 0 : i32
      %dma_start3A_27 = tpu.memref_slice %arg4[%dma_start3A_24, %add3A, %dma_start3A_25, %dma_start3A_26] : memref<1x10x720x361xf32, #tpu.memory_space<hbm>> -> memref<1x1x720x361xf32, #tpu.memory_space<hbm>>
      %dma_start3A_28 = tpu.memref_squeeze %dma_start3A_27 : memref<1x1x720x361xf32, #tpu.memory_space<hbm>> -> memref<720x361xf32, #tpu.memory_space<hbm>>
      %dma_start3A_29 = arith.constant 0 : i32
      %dma_start3A_30 = arith.constant 0 : i32
      %dma_start3A_31 = tpu.memref_slice %arg6[%arg1, %dma_start3A_29, %dma_start3A_30] : memref<5x720x361xf32, #tpu.memory_space<vmem_shared>> -> memref<1x720x361xf32, #tpu.memory_space<vmem_shared>>
      %dma_start3A_32 = tpu.memref_squeeze %dma_start3A_31 : memref<1x720x361xf32, #tpu.memory_space<vmem_shared>> -> memref<720x361xf32, #tpu.memory_space<vmem_shared>>
      tpu.enqueue_dma source(%dma_start3A_32 : memref<720x361xf32, #tpu.memory_space<vmem_shared>>) target(%dma_start3A_28 : memref<720x361xf32, #tpu.memory_space<hbm>>) target_semaphore(%arg7 : memref<!tpu.dma_semaphore, #tpu.memory_space<semaphore_mem>>)
      %dma_wait3A_33 = arith.constant 0 : i32
      %dma_wait3A_34 = arith.constant 0 : i32
      %dma_wait3A_35 = arith.constant 0 : i32
      %dma_wait3A_36 = tpu.memref_slice %arg4[%dma_wait3A_33, %add3A, %dma_wait3A_34, %dma_wait3A_35] : memref<1x10x720x361xf32, #tpu.memory_space<hbm>> -> memref<1x1x720x361xf32, #tpu.memory_space<hbm>>
      %dma_wait3A_37 = tpu.memref_squeeze %dma_wait3A_36 : memref<1x1x720x361xf32, #tpu.memory_space<hbm>> -> memref<720x361xf32, #tpu.memory_space<hbm>>
      %dma_wait3A_38 = arith.constant 0 : i32
      %dma_wait3A_39 = arith.constant 0 : i32
      %dma_wait3A_40 = tpu.memref_slice %arg6[%arg1, %dma_wait3A_38, %dma_wait3A_39] : memref<5x720x361xf32, #tpu.memory_space<vmem_shared>> -> memref<1x720x361xf32, #tpu.memory_space<vmem_shared>>
      %dma_wait3A_41 = tpu.memref_squeeze %dma_wait3A_40 : memref<1x720x361xf32, #tpu.memory_space<vmem_shared>> -> memref<720x361xf32, #tpu.memory_space<vmem_shared>>
      tpu.wait_dma2 semaphore(%arg7 : memref<!tpu.dma_semaphore, #tpu.memory_space<semaphore_mem>>) src(%dma_wait3A_41 : memref<720x361xf32, #tpu.memory_space<vmem_shared>>) dst(%dma_wait3A_37 : memref<720x361xf32, #tpu.memory_space<hbm>>)
    } else {
    }
    return
  }
}

</mosaic_0001>

<sc_bundles>
// kernel: kernel.3.cloned.1.call-start
scs
__scs_entry_jumppad:
0x0: {  	(pc) =	sbr.rel $0x88, $3  }
0x1: {  	(tag) =	ssettag $0x0;
	lr =	simm.s32 $0x1  }
0x2: {  	[smem:$0x3F9F] =	sst lr;
	_ =	strace $0xD0000000  }
0x3: {  	_ = 	snop  }
0x4: {  	_ = 	snop  }
0x5: {  	_ = 	snop  }
0x6: {  	_ = 	snop  }
0x7: {  	_ = 	snop  }
__scs_overlays_trampoline_lowered:
0x8: {  	[smem:$0x3FAE] =	sst s0  }
0x9: {  	[smem:$0x3FAF] =	sst s1  }
0xa: {  	[smem:$0x3FB0] =	sst s2  }
0xb: {  	[smem:$0x3FB1] =	sst s3  }
0xc: {  	[smem:$0x3FB2] =	sst s4  }
0xd: {  	[smem:$0x3FB3] =	sst s5  }
0xe: {  	[smem:$0x3FB4] =	sst s6  }
0xf: {  	[smem:$0x3FB5] =	sst s7  }
0x10: {  	[smem:$0x3FB6] =	sst s8  }
0x11: {  	[smem:$0x3FB7] =	sst s9;
	s0 =	simm.s32 @!p0 $0x0  }
0x12: {  	s1 =	sld [smem:$0x3F9D];
	s0 =	simm.s32 @p0 $0x1  }
0x13: {  	[smem:$0x3FB8] =	sst s0;
	s0 =	simm.s32 @!p1 $0x0  }
0x14: {  	s2 =	sld [smem:$0x3F9C];
	s0 =	simm.s32 @p1 $0x1  }
0x15: {  	[smem:$0x3FB9] =	sst s0;
	s0 =	simm.s32 @!p2 $0x0  }
0x16: {  	s3 =	sld [smem:$0x3FDB];
	s0 =	simm.s32 @p2 $0x1  }
0x17: {  	s4 =	simm.s32 $0x1BF5;
	[smem:$0x3FBB] =	sst s0  }
0x18: {  	s0 =	sld [smem:$0x3F9E];
	_ =	swait.ge [sflag:s4], $0x0  }
0x19: {  	s7 =	sld [smem:$0x3F9F]  }
0x1a: {  	s8 =	sadd.s32 $0xFFFFE003, lr  }
0x1b: {  	s9 =	sadd.s32 $0xFFFFFEF7, lr;
	s5 =	simm.s32 $0xFFFFFFFF;
	p2 =	slt.u32 s8, $0xFFFFF086  }
0x1c: {  	p1 =	slt.u32 s9, $0xF7A;
	s5 =	simm.s32 @!p2 $0x0  }
0x1d: {  	s5 =	simm.s32 @p1 $0x1;
	p0 =	seq.s32 s7, s2  }
0x1e: {  	s7 =	smul.u32 @!p0 $0xF7A, s2;
	p2 =	seq.s32 @!p0 s5, $0x0  }
0x1f: {  	s9 =	smul.u32 $0xF7A, s1;
	s8 =	simm.s32 @!p0 $0x1BF5;
	p2 =	por !p2, p0  }
0x20: {  	[sflag:s8] =	ssyncset.s32 @!p0 $0xFFFFF086;
	s6 =	sadd.s32 @!p0 s3, s7;
	s7 =	simm.s32 @!p0 $0x108  }
0x21: {  	s3 =	sadd.s32 s3, s9;
	s6 =	sadd.s32 @!p0 $0x88, s6;
	s7 =	simm.s32 @p2 $0x1082  }
0x22: {  	[simem:s7], [sflag:s8] =	dma.local @!p0 [hbm:s6], $0xF7A  }
0x23: {  	s9 =	sor.u32 $0xD0000000, s2;
	s6 =	simm.s32 $0x108;
	_ =	swait.ge @!p0 [sflag:s8], $0x0  }
0x24: {  	s3 =	sadd.s32 $0x88, s3;
	s6 =	simm.s32 @!p1 $0x1082;
	[sflag:s4] =	ssyncset.s32 $0xFFFFF086  }
0x25: {  	[simem:s6], [sflag:s4] =	dma.local [hbm:s3], $0xF7A  }
0x26: {  	[smem:$0x3F9F] =	sst s1;
	(tag) =	ssettag s2;
	_ =	strace s9  }
0x27: {  	s1 =	sld [smem:$0x3FAF]  }
0x28: {  	s2 =	sld [smem:$0x3FB0]  }
0x29: {  	s4 =	sld [smem:$0x3FB2]  }
0x2a: {  	p0 =	seq.s32 s5, $0x0;
	s5 =	sld [smem:$0x3FB3]  }
0x2b: {  	s6 =	sld [smem:$0x3FB4]  }
0x2c: {  	s7 =	sld [smem:$0x3FB5]  }
0x2d: {  	s3 =	simm.s32 $0x108;
	s8 =	sld [smem:$0x3FB6]  }
0x2e: {  	s3 =	simm.s32 @!p0 $0x1082;
	s9 =	sld [smem:$0x3FB7]  }
0x2f: {  	lr =	sadd.s32 s0, s3;
	s0 =	sld [smem:$0x3FAE]  }
0x30: {  	s3 =	sld [smem:$0x3FB1]  }
0x31: {  	[smem:$0x3FBA] =	sst s10  }
0x32: {  	s10 =	sld [smem:$0x3FB8];
	_ =	sdelay $0x3  }
0x33: {  	p0 =	seq.s32 s10, $0x1;
	s10 =	sld [smem:$0x3FBA];
	_ =	sdelay $0x3  }
0x34: {  	[smem:$0x3FBA] =	sst s10  }
0x35: {  	s10 =	sld [smem:$0x3FB9];
	_ =	sdelay $0x3  }
0x36: {  	p1 =	seq.s32 s10, $0x1;
	s10 =	sld [smem:$0x3FBA];
	_ =	sdelay $0x3  }
0x37: {  	[smem:$0x3FBA] =	sst s10  }
0x38: {  	s10 =	sld [smem:$0x3FBB]  }
0x39: {  	_ = 	snop;
	(pc) =	sbr.ind lr, $3  }
0x3a: {  	_ = 	snop  }
0x3b: {  	_ = 	snop  }
0x3c: {  	p2 =	seq.s32 s10, $0x1;
	s10 =	sld [smem:$0x3FBA]  }
0x3d: {  	_ =	shalt  }
0x3e: {  	_ =	shalt  }
0x3f: {  	_ =	shalt  }
0x40: {  	_ =	shalt  }
0x41: {  	_ =	shalt  }
0x42: {  	_ =	shalt  }
0x43: {  	_ =	shalt  }
0x44: {  	_ =	shalt  }
0x45: {  	_ =	shalt  }
0x46: {  	_ =	shalt  }
0x47: {  	_ =	shalt  }
0x48: {  	_ =	shalt  }
0x49: {  	_ =	shalt  }
0x4a: {  	_ =	shalt  }
0x4b: {  	_ =	shalt  }
0x4c: {  	_ =	shalt  }
0x4d: {  	_ =	shalt  }
0x4e: {  	_ =	shalt  }
0x4f: {  	_ =	shalt  }
0x50: {  	_ =	shalt  }
0x51: {  	_ =	shalt  }
0x52: {  	_ =	shalt  }
0x53: {  	_ =	shalt  }
0x54: {  	_ =	shalt  }
0x55: {  	_ =	shalt  }
0x56: {  	_ =	shalt  }
0x57: {  	_ =	shalt  }
0x58: {  	_ =	shalt  }
0x59: {  	_ =	shalt  }
0x5a: {  	_ =	shalt  }
0x5b: {  	_ =	shalt  }
0x5c: {  	_ =	shalt  }
0x5d: {  	_ =	shalt  }
0x5e: {  	_ =	shalt  }
0x5f: {  	_ =	shalt  }
0x60: {  	_ =	shalt  }
0x61: {  	_ =	shalt  }
0x62: {  	_ =	shalt  }
0x63: {  	_ =	shalt  }
0x64: {  	_ =	shalt  }
0x65: {  	_ =	shalt  }
0x66: {  	_ =	shalt  }
0x67: {  	_ =	shalt  }
0x68: {  	_ =	shalt  }
0x69: {  	_ =	shalt  }
0x6a: {  	_ =	shalt  }
0x6b: {  	_ =	shalt  }
0x6c: {  	_ =	shalt  }
0x6d: {  	_ =	shalt  }
0x6e: {  	_ =	shalt  }
0x6f: {  	_ =	shalt  }
0x70: {  	_ =	shalt  }
0x71: {  	_ =	shalt  }
0x72: {  	_ =	shalt  }
0x73: {  	_ =	shalt  }
0x74: {  	_ =	shalt  }
0x75: {  	_ =	shalt  }
0x76: {  	_ =	shalt  }
0x77: {  	_ =	shalt  }
0x78: {  	_ =	shalt  }
0x79: {  	_ =	shalt  }
0x7a: {  	_ =	shalt  }
0x7b: {  	_ =	shalt  }
0x7c: {  	_ =	shalt  }
0x7d: {  	_ =	shalt  }
0x7e: {  	_ =	shalt  }
0x7f: {  	_ =	shalt  }
0x80: {  	_ =	shalt  }
0x81: {  	_ =	shalt  }
0x82: {  	_ =	shalt  }
0x83: {  	_ =	shalt  }
0x84: {  	_ =	shalt  }
0x85: {  	_ =	shalt  }
0x86: {  	_ =	shalt  }
0x87: {  	_ =	shalt  }
.Lfunc_end0:
.L_simem_size_0:
called_computation_lowered:
.L_overlay_start_0:
0x88: {  	s2 =	sld [smem:$0x3FD9]  }
0x89: {  	s3 =	sld [smem:$0x3FFE];
	_ =	sdelay $0x1  }
0x8a: {  	s1 =	srdreg.scid  }
0x8b: {  	s0 =	sand.u32 $0x1, s1  }
0x8c: {  	s18 =	sshll.u32 s0, $0xA;
	s2 =	sadd.s32 s3, s2  }
0x8d: {  	s2 =	sadd.s32 s2, s18  }
0x8e: {  	[smem:$0x3FC6] =	sst s2  }
0x8f: {  	_ = 	snop  }
0x90: {  	s2 =	sld [smem:$0x3FC9]  }
0x91: {  	s19 =	sld [smem:$0x3FC8]  }
0x92: {  	s4 =	sld [smem:$0x3FD0];
	(tm) =	ssettm $0x1  }
0x93: {  	s5 =	sld [smem:$0x3FFB];
	_ =	sdelay $0x3  }
0x94: {  	_ =	strace s5  }
0x95: {  	s5 =	sld [smem:$0x3FFC];
	_ =	sdelay $0x3  }
0x96: {  	_ =	strace s5  }
0x97: {  	s5 =	sld [smem:$0x3FFD];
	_ =	sdelay $0x3  }
0x98: {  	_ =	strace s5  }
0x99: {  	_ =	strace $0x8FFFFFFF  }
0x9a: {  	s20 =	sld [smem:$0x3FDB];
	_ =	sdelay $0x1  }
0x9b: {  	s6 =	simm.s32 $_scs_section_size  }
0x9c: {  	s7 =	simm.s32 $_size__tile_overlayer_lowered;
	s8 =	simm.s32 $_tile_overlayer_lowered  }
0x9d: {  	s23 =	simm.s32 $0x1BFF;
	s22 =	sshll.u32 s8, $0x1;
	s5 =	sadd.s32 s6, s20  }
0x9e: {  	s9 =	simm.s32 $0x0;
	s21 =	sshll.u32 s7, $0x1;
	s7 =	sadd.s32 s22, s5  }
0x9f: {  	[timem:s9], [sflag:s23] =	dma.local [hbm:s7], s21  }
0xa0: {  	_ =	swait.ge [sflag:s23], s21  }
0xa1: {  	s6 =	ssub.s32 $0x0, s21;
	[sflag:s23] =	ssyncset.done $0x0  }
0xa2: {  	[sflag:s23] =	ssyncadd.s32 s6;
	_ =	sdelay $0x1  }
0xa3: {  	s24 =	simm.s32 $0x1B8B  }
0xa4: {  	_ =	swait.ge [sflag:s24], $0x1  }
0xa5: {  	[sflag:s24] =	ssyncset.done $0x0  }
0xa6: {  	s25 =	simm.s32 $0x1B8E;
	[sflag:s24] =	ssyncadd.s32 $0xFFFFFFFF  }
0xa7: {  	s26 =	simm.s32 $execute0_lowered;
	[smem:$0x3FD2] =	sst s25  }
0xa8: {  	s6 =	sshll.u32 s26, $0x1;
	_ =	strace $0x80000046;
	[dreg:$0x1] =	wrdreg $0xFFFFFFFF  }
0xa9: {  	s28 =	simm.s32 $_size_execute0_lowered;
	s5 =	sadd.s32 s5, s6;
	[dreg:$0x0] =	wrdreg $0x0  }
0xaa: {  	s6 =	sshll.u32 s28, $0x1;
	[dreg:$0x2] =	wrdreg s5  }
0xab: {  	[dreg:$0x3] =	wrdreg s6  }
0xac: {  	[dreg:$0x4] =	wrdreg $0xC0  }
0xad: {  	_ =	task [dreg:s9], $0x5FFFF  }
0xae: {  	[dreg:$0x1] =	wrdreg $0xFFFFFFFF  }
0xaf: {  	[dreg:$0x0] =	wrdreg $0x60  }
0xb0: {  	[dreg:$0x2] =	wrdreg s2  }
0xb1: {  	[dreg:$0x3] =	wrdreg s19  }
0xb2: {  	[dreg:$0x4] =	wrdreg s4  }
0xb3: {  	[dreg:$0x5] =	wrdreg $0x800  }
0xb4: {  	[dreg:$0x6] =	wrdreg $0x9  }
0xb5: {  	_ =	task.clear_ibuf [dreg:s9], $0x7FFFF;
	_ =	strace $0x90000046  }
0xb6: {  	s29 =	simm.s32 $0x9;
	_ =	strace $0x80000048  }
0xb7: {  	_ =	swait.ge [sflag:s29], $0x1  }
0xb8: {  	[sflag:s29] =	ssyncadd.s32 $0xFFFFFFFF  }
0xb9: {  	_ =	strace $0x90000048  }
0xba: {  	_ =	sfence  }
0xbb: {  	s30 =	sld [smem:$0x0];
	_ =	sdelay $0x2  }
0xbc: {  	s31 =	sshll.u32 s1, $0xD;
	s1 =	sshrl.u32 s1, $0x2  }
0xbd: {  	s3 =	sand.u32 $0x4000, s31;
	s1 =	sadd.s32 s1, s30  }
0xbe: {  	s0 =	sor.u32 s3, s0;
	s1 =	sshll.u32 s1, $0x11  }
0xbf: {  	s0 =	sor.u32 s1, s0  }
0xc0: {  	s0 =	sadd.s32 $0x8F2B, s0  }
0xc1: {  	[sflag:s0] =	ssyncadd.remote.s32 $0x1  }
0xc2: {  	_ =	sfence.sel $0xFFFF  }
0xc3: {  	[dreg:$0x0] =	wrdreg $0xFFFFFFFF;
	(pc) =	sbr.abs _section_cstart, $3  }
0xc4: {  	[dreg:$0x1] =	wrdreg $0xFFFFFFFF  }
0xc5: {  	_ =	task.clear_ibuf [dreg:s9], $0x2FFFF;
	_ =	strace $0x9FFFFFFF  }
0xc6: {  	(tm) =	ssettm $0x7FFFFFFF  }
0xc7: {  	_ =	shalt  }
tec
execute0_lowered:
.L_overlay_start_1:
0x0: {  	(tag) =	ssettag $0x1  }
0x1: {  	s1 =	rddreg [dreg:$0x0]  }
0x2: {  	s2 =	rddreg [dreg:$0x1]  }
0x3: {  	s9 =	rddreg [dreg:$0x2]  }
0x4: {  	s6 =	rddreg [dreg:$0x3];
	s4 =	simm.s32 $0x0  }
0x5: {  	[smem:$0x7FF] =	sst s4  }
0x6: {  	s0 =	rddreg [dreg:$0x4];
	s5 =	simm.s32 $0x2;
	_ =	strace $0x80000047  }
0x7: {  	[tilespmem:s4], [sflag:$0x2] =	stream.linear.gather [hbm4b:s2+s4], $0xA, $0x38;
	[tilespmem:$0x13DD0] =	vst v63  }
0x8: {  	_ =	swait.ge [sflag:s5], $0xA  }
0x9: {  	s3 =	stileid.u32;
	[sflag:s5] =	ssyncset.done $0x0  }
0xa: {  	p0 =	sgt.u32 s3, $0x4;
	[sflag:s5] =	ssyncadd.s32 $0xFFFFFFF6  }
0xb: {  	s7 =	srdreg.scid;
	v0 =	vld @!p0 [tilespmem:$0x0]  }
0xc: {  	s7 =	sand.u32 $0x1, s7;
	s8 =	sshll.u32 s3, $0x1  }
0xd: {  	s10 =	sor.u32 s7, s8  }
0xe: {  	v2 =	vlaneseq.u32 @!p0;
	v1 =	vmov s10  }
0xf: {  	vm0 =	veq.s32 @!p0 v1, v2  }
0x10: {  	v0 =	vnsel @!p0 vm0, $0x0, v0  }
0x11: {  	(xrf0) =	vadd.scan.msk.s32 @!p0 $0xffff, v0;
	_ =	sdelay $0x5  }
0x12: {  	v0, _, _ =	vpop @!p0 (xrf0)  }
0x13: {  	(v2sf) =	vpush @!p0 v0, $0xF;
	_ =	sdelay $0xd  }
0x14: {  	s29 =	smul.u32 $0x10E000, s3  }
0x15: {  	s11 =	spop @!p0 (v2sf)  }
0x16: {  	s12 =	ssub.s32 $0x2, s7;
	s30 =	sshrl.u32 s29, $0x2;
	s11 =	smul.u32 @!p0 $0x43800, s11  }
0x17: {  	s31 =	sshrl.u32 s12, $0x1;
	s7 =	sadd.s32 s30, s6;
	s6 =	sshll.u32 @!p0 s3, $0x6  }
0x18: {  	s10 =	smul.u32 $0x8700, s10;
	s6 =	sor.u32 @!p0 $0x1C01, s6;
	s11 =	sshrl.u32 @!p0 s11, $0x3  }
0x19: {  	s8 =	sshrl.u32 @!p0 s7, $0x3;
	s7 =	sadd.s32 @!p0 s1, s11;
	s11 =	ssub.s32 s12, s31  }
0x1a: {  	[spmem:s8], [sflag:s6] =	dma.local @!p0 [hbm:s7], $0x8700  }
0x1b: {  	s11 =	smax.u32 s11, $0x1  }
0x1c: {  	s9 =	sadd.s32 s9, s10;
	s7 =	simm.s32 @!p0 $0x1;
	s10 =	sadd.s32 $0xFFFFFFFF, s11  }
0x1d: {  	_ =	swait.ge @!p0 [sflag:s7], $0x8700;
	p1 =	sne.s32 s10, $0x0  }
.Ltmp0:
0x1e: {  	[sflag:s7] =	ssyncset.done @!p0 $0x0;
	(pc) =	sbr.rel @!p1 .LBB2_2-.Ltmp0, $4  }
0x1f: {  	[sflag:s7] =	ssyncadd.s32 @!p0 $0xFFFF7900  }
0x20: {  	[hbm:s9], [sflag:s6] =	dma.local @!p0 [spmem:s8], $0x8700  }
0x21: {  	_ =	swait.ge @!p0 [sflag:s7], $0x8700  }
0x22: {  	[sflag:s7] =	ssyncset.done @!p0 $0x0  }
.LBB2_1:
0x23: {  	s10 =	sadd.s32 $0xFFFFFFFF, s10;
	[sflag:s7] =	ssyncadd.s32 @!p0 $0xFFFF7900  }
0x24: {  	[tilespmem:s4], [sflag:$0x2] =	stream.linear.gather [hbm4b:s2+s4], $0xA, $0x38;
	[tilespmem:$0x13DD0] =	vst v63  }
0x25: {  	p1 =	sne.s32 s10, $0x0;
	_ =	swait.ge [sflag:s5], $0xA  }
0x26: {  	[sflag:s5] =	ssyncset.done $0x0  }
0x27: {  	[sflag:s5] =	ssyncadd.s32 $0xFFFFFFF6  }
0x28: {  	v0 =	vld @!p0 [tilespmem:$0x0];
	_ =	sdelay $0x4  }
0x29: {  	v0 =	vnsel @!p0 vm0, $0x0, v0  }
0x2a: {  	(xrf0) =	vadd.scan.msk.s32 @!p0 $0xffff, v0;
	_ =	sdelay $0x5  }
0x2b: {  	v0, _, _ =	vpop @!p0 (xrf0)  }
0x2c: {  	(v2sf) =	vpush @!p0 v0, $0xF;
	_ =	sdelay $0xe  }
0x2d: {  	s11 =	spop @!p0 (v2sf)  }
0x2e: {  	s11 =	smul.u32 @!p0 $0x43800, s11;
	_ =	sdelay $0x1  }
0x2f: {  	s11 =	sshrl.u32 @!p0 s11, $0x3  }
0x30: {  	s11 =	sadd.s32 @!p0 s1, s11  }
0x31: {  	[spmem:s8], [sflag:s6] =	dma.local @!p0 [hbm:s11], $0x8700  }
0x32: {  	_ =	swait.ge @!p0 [sflag:s7], $0x8700  }
.Ltmp1:
0x33: {  	[sflag:s7] =	ssyncset.done @!p0 $0x0;
	(pc) =	sbr.rel @p1 .LBB2_1-.Ltmp1, $4  }
0x34: {  	[sflag:s7] =	ssyncadd.s32 @!p0 $0xFFFF7900  }
0x35: {  	[hbm:s9], [sflag:s6] =	dma.local @!p0 [spmem:s8], $0x8700  }
0x36: {  	_ =	swait.ge @!p0 [sflag:s7], $0x8700  }
0x37: {  	[sflag:s7] =	ssyncset.done @!p0 $0x0  }
.LBB2_2:
0x38: {  	[sflag:s7] =	ssyncadd.s32 @!p0 $0xFFFF7900  }
0x39: {  	_ =	sfence.sel $0x180000  }
0x3a: {  	[bflag:$0x0] =	sbarrier.arrive $0xFFFF  }
0x3b: {  	p0 =	sne.s32 s3, $0x0;
	_ =	strace $0x90000047  }
0x3c: {  	s0 =	sadd.s32 @!p0 $0x100000, s0;
	[bflag:$0x2] =	sbarrier.arrive $0xFFFF  }
0x3d: {  	[sflag:s0] =	ssyncadd.tile.s32 @!p0 $0x1;
	_ =	shalt  }
.Lfunc_end2:
_tile_overlayer_lowered:
.L_overlay_start_2:
0x3e: {  	(tag) =	ssettag $0x2  }
0x3f: {  	s0 =	rddreg [dreg:$0x0];
	s2 =	stileid.u32  }
0x40: {  	s1 =	rddreg [dreg:$0x1];
	p0 =	sne.s32 s2, $0x0  }
0x41: {  	s3 =	rddreg [dreg:$0x2];
	[bflag:$0x3] =	sbarrier.arrive $0xFFFF;
	s2 =	simm.s32 @!p0 $0x1C02  }
0x42: {  	[timem:s3], [sflag:s2] =	dma.local @!p0 [hbm:s0], s1  }
0x43: {  	s0 =	simm.s32 @!p0 $0x2  }
0x44: {  	_ =	swait.ge @!p0 [sflag:s0], s1  }
0x45: {  	s1 =	ssub.s32 @!p0 $0x0, s1;
	[sflag:s0] =	ssyncset.done @!p0 $0x0  }
0x46: {  	[sflag:s0] =	ssyncadd.s32 @!p0 s1  }
0x47: {  	[bflag:$0x3] =	sbarrier.arrive $0xFFFF  }
0x48: {  	_ =	shalt  }

</sc_bundles>
